<compile_context>
chip_gen: v7x
topology: tpu7x:2x2x1
jax: 0.10.2.dev20260603
libtpu: 0.0.44.dev20260713+nightly
codegen_flags: <defaults>
</compile_context>

<pallas_src>
import jax
import jax.numpy as jnp
from jax import lax
from jax.experimental import pallas as pl
from jax.experimental.pallas import tpu as pltpu
from jax.experimental.pallas import tpu_sc as plsc

_S = 30.0
_BLKC = 2048

_SC_WORKERS = 32
_SC_LANES = 16
_PAD_C = 112


def _margin_gather_sc(tgt2, base_m_list, class_margin_weights, batch):
    per_w = batch // _SC_WORKERS
    c = base_m_list.shape[0]
    mesh = plsc.VectorSubcoreMesh(core_axis_name="c", subcore_axis_name="s")

    @pl.kernel(
        out_type=jax.ShapeDtypeStruct((1, batch), jnp.float32),
        mesh=mesh,
        compiler_params=pltpu.CompilerParams(needs_layout_passes=False),
        scratch_types=[
            pltpu.VMEM((per_w,), jnp.int32),
            pltpu.VMEM((_PAD_C,), jnp.float32),
            pltpu.VMEM((_PAD_C,), jnp.float32),
            pltpu.VMEM((_PAD_C,), jnp.float32),
            pltpu.VMEM((per_w,), jnp.float32),
        ],
    )
    def sc_kernel(t_hbm, bm_hbm, w_hbm, out_hbm, t_v, bm_v, w_v, m_v, out_v):
        wid = lax.axis_index("s") * 2 + lax.axis_index("c")
        base = wid * per_w
        pltpu.sync_copy(t_hbm.at[0, pl.ds(base, per_w)], t_v)
        pltpu.sync_copy(bm_hbm, bm_v.at[pl.ds(0, c)])
        pltpu.sync_copy(w_hbm, w_v.at[pl.ds(0, c)])

        @pl.loop(0, _PAD_C, step=_SC_LANES)
        def _(j):
            wv = w_v[pl.ds(j, _SC_LANES)]
            sig = 1.0 / (1.0 + jnp.exp(-wv))
            m_v[pl.ds(j, _SC_LANES)] = bm_v[pl.ds(j, _SC_LANES)] * sig

        @pl.loop(0, per_w, step=_SC_LANES)
        def _(j):
            idx = t_v[pl.ds(j, _SC_LANES)]
            out_v[pl.ds(j, _SC_LANES)] = plsc.load_gather(m_v, [idx])

        pltpu.sync_copy(out_v, out_hbm.at[0, pl.ds(base, per_w)])

    return sc_kernel(tgt2, base_m_list, class_margin_weights)


_NSTREAM = 4


def _stats_body(*refs):
    xs = refs[:_NSTREAM]
    ts = refs[_NSTREAM:2 * _NSTREAM]
    outs = refs[2 * _NSTREAM:]
    for logit_ref, tgt_ref, stats_ref in zip(xs, ts, outs):
        x = logit_ref[...]
        t = tgt_ref[...]
        cls = jax.lax.broadcasted_iota(jnp.int32, x.shape, 0)
        onehot = cls == t
        picked = jnp.sum(jnp.where(onehot, x, 0.0), axis=0, keepdims=True)
        mx = jnp.max(x, axis=0, keepdims=True)
        z = jnp.sum(jnp.exp(x - mx), axis=0, keepdims=True)
        stats_ref[...] = jnp.concatenate([z, picked - mx], axis=0)


def _combine_body(*refs):
    sts = refs[:_NSTREAM]
    mcol_ref = refs[_NSTREAM]
    out_ref = refs[_NSTREAM + 1]
    bpart = sts[0].shape[1]
    total = None
    for k, stats_ref in enumerate(sts):
        st = stats_ref[...]
        z = st[0:1, :]
        u = st[1:2, :]
        sm = _S * mcol_ref[0:1, k * bpart:(k + 1) * bpart]
        zp = z - jnp.exp(u) + jnp.exp(u - sm)
        loss = jnp.log(zp) - u + sm
        s = jnp.sum(loss, axis=1, keepdims=True)
        total = s if total is None else total + s
    out_ref[...] = total / (bpart * _NSTREAM)


def kernel(logit, target, base_m_list, class_margin_weights):
    b, c = logit.shape
    tgt2 = target.reshape(1, b)
    m_g = _margin_gather_sc(tgt2, base_m_list, class_margin_weights, b)

    xt = logit.T
    part = b // _NSTREAM
    grid = part // _BLKC
    off = part // _BLKC

    def x_spec(k):
        return pl.BlockSpec((c, _BLKC), lambda i, k=k: (0, i + k * off))

    def t_spec(k):
        return pl.BlockSpec((1, _BLKC), lambda i, k=k: (0, i + k * off))

    stats = pl.pallas_call(
        _stats_body,
        grid=(grid,),
        in_specs=[x_spec(k) for k in range(_NSTREAM)]
        + [t_spec(k) for k in range(_NSTREAM)],
        out_specs=[pl.BlockSpec((2, _BLKC), lambda i: (0, i))] * _NSTREAM,
        out_shape=[jax.ShapeDtypeStruct((2, part), jnp.float32)] * _NSTREAM,
    )(*([xt] * _NSTREAM + [tgt2] * _NSTREAM))

    out = pl.pallas_call(
        _combine_body,
        out_shape=jax.ShapeDtypeStruct((1, 1), jnp.float32),
    )(*stats, m_g)
    return out[0, 0]

# --- scband reference (transcript-rebuilt; emitter-appended) ---
"""Pipeline reference for scband-class-aware-ldam-343597384430 (READ-ONLY COPY).

The authoritative reference and input builder live on the scoring server;
editing this copy changes nothing except your own understanding.
"""

import jax, jax.numpy as jnp
import numpy as np

NUM_CLASSES = 100
BATCH = 16384
MAX_M = 0.5
S = 30.0


def _build_base_m_list():
    cls_num = np.array([5000 - 50 * i for i in range(NUM_CLASSES)], dtype=np.float32)
    m = 1.0 / np.sqrt(np.sqrt(cls_num))
    m = m * (MAX_M / m.max())
    return jnp.asarray(m, dtype=jnp.float32)


def setup_inputs(seed: int = 0) -> dict:
    key = jax.random.key(seed)
    k1, k2 = jax.random.split(key, 2)
    logit = jax.random.normal(k1, (BATCH, NUM_CLASSES), dtype=jnp.float32)
    target = jax.random.randint(k2, (BATCH,), 0, NUM_CLASSES, dtype=jnp.int32)
    base_m_list = _build_base_m_list()
    class_margin_weights = jnp.ones((NUM_CLASSES,), dtype=jnp.float32)
    return {
        "logit": logit,
        "target": target,
        "base_m_list": base_m_list,
        "class_margin_weights": class_margin_weights,
    }


def reference(logit, target, base_m_list, class_margin_weights):
    # per-class adaptive margins (use_class_weights=True path)
    m_list = base_m_list * jax.nn.sigmoid(class_margin_weights)
    b = logit.shape[0]
    # index.scatter_(1, target.view(-1,1), True)
    index = jnp.zeros_like(logit, dtype=bool).at[jnp.arange(b), target].set(True)
    # batch_m = m_list[None,:] @ index.float().T, transposed -> [B, 1]
    batch_m = jnp.matmul(m_list[None, :], index.astype(jnp.float32).T).T
    logit_m = logit - batch_m * S
    output = jnp.where(index, logit_m, logit)
    # F.cross_entropy (mean reduction)
    logz = jax.scipy.special.logsumexp(output, axis=1)
    picked = jnp.take_along_axis(output, target[:, None], axis=1)[:, 0]
    loss = jnp.mean(logz - picked)
    return loss

if __name__ == "__main__":
    import jax
    _d = setup_inputs()
    print(jax.jit(kernel)(*tuple(_d.values())))

</pallas_src>

<mosaic_0001>
#map = affine_map<(d0, d1) -> (0, 0)>
#map1 = affine_map<(d0, d1) -> (0)>
module attributes {stable_mosaic.version = 14 : i64} {
  func.func @sc_kernel(%arg0: i32, %arg1: i32, %arg2: memref<1x16384xi32, #tpu.memory_space<hbm>>, %arg3: memref<100xf32, #tpu.memory_space<hbm>>, %arg4: memref<100xf32, #tpu.memory_space<hbm>>, %arg5: memref<1x16384xf32, #tpu.memory_space<hbm>>, %arg6: memref<512xi32, #tpu.memory_space<vmem>>, %arg7: memref<112xf32, #tpu.memory_space<vmem>>, %arg8: memref<112xf32, #tpu.memory_space<vmem>>, %arg9: memref<112xf32, #tpu.memory_space<vmem>>, %arg10: memref<512xf32, #tpu.memory_space<vmem>>) attributes {dimension_semantics = [#tpu.dimension_semantics<core_parallel>, #tpu.dimension_semantics<subcore_parallel>], iteration_bounds = array<i64: 2, 16>, scalar_prefetch = 0 : i64, scratch_operands = 5 : i64, tpu.core_type = #tpu.core_type<sc_vector_subcore>, window_params = [{transform_indices = #map}, {transform_indices = #map1}, {transform_indices = #map1}, {transform_indices = #map}]} {
    %mul3A = arith.constant 2 : i32
    %mul3A_0 = arith.muli %arg1, %mul3A : i32
    %add3A = arith.addi %mul3A_0, %arg0 : i32
    %mul3A_1 = arith.constant 512 : i32
    %mul3A_2 = arith.muli %add3A, %mul3A_1 : i32
    %run_scoped3A = arith.constant 0 : i32
    "tpu.region"() ({
      %run_scoped3A_13 = tpu.sem_alloc : memref<!tpu.dma_semaphore, #tpu.memory_space<semaphore_mem>>
      %dma_start3A = tpu.memref_slice %arg2[%run_scoped3A, %mul3A_2] : memref<1x16384xi32, #tpu.memory_space<hbm>> -> memref<1x512xi32, #tpu.memory_space<hbm>>
      %dma_start3A_14 = tpu.memref_squeeze %dma_start3A : memref<1x512xi32, #tpu.memory_space<hbm>> -> memref<512xi32, #tpu.memory_space<hbm>>
      %dma_start3A_15 = tpu.memref_slice %arg2[%run_scoped3A, %mul3A_2] : memref<1x16384xi32, #tpu.memory_space<hbm>> -> memref<1x512xi32, #tpu.memory_space<hbm>>
      %dma_start3A_16 = tpu.memref_squeeze %dma_start3A_15 : memref<1x512xi32, #tpu.memory_space<hbm>> -> memref<512xi32, #tpu.memory_space<hbm>>
      tpu.enqueue_dma source(%dma_start3A_16 : memref<512xi32, #tpu.memory_space<hbm>>) target(%arg6 : memref<512xi32, #tpu.memory_space<vmem>>) target_semaphore(%run_scoped3A_13 : memref<!tpu.dma_semaphore, #tpu.memory_space<semaphore_mem>>)
      %dma_wait3A = tpu.memref_slice %arg2[%run_scoped3A, %mul3A_2] : memref<1x16384xi32, #tpu.memory_space<hbm>> -> memref<1x512xi32, #tpu.memory_space<hbm>>
      %dma_wait3A_17 = tpu.memref_squeeze %dma_wait3A : memref<1x512xi32, #tpu.memory_space<hbm>> -> memref<512xi32, #tpu.memory_space<hbm>>
      %dma_wait3A_18 = tpu.memref_slice %arg2[%run_scoped3A, %mul3A_2] : memref<1x16384xi32, #tpu.memory_space<hbm>> -> memref<1x512xi32, #tpu.memory_space<hbm>>
      %dma_wait3A_19 = tpu.memref_squeeze %dma_wait3A_18 : memref<1x512xi32, #tpu.memory_space<hbm>> -> memref<512xi32, #tpu.memory_space<hbm>>
      tpu.wait_dma2 semaphore(%run_scoped3A_13 : memref<!tpu.dma_semaphore, #tpu.memory_space<semaphore_mem>>) src(%dma_wait3A_19 : memref<512xi32, #tpu.memory_space<hbm>>) dst(%arg6 : memref<512xi32, #tpu.memory_space<vmem>>)
      tpu.yield
    }) : () -> ()
    "tpu.region"() ({
      %run_scoped3A_13 = tpu.sem_alloc : memref<!tpu.dma_semaphore, #tpu.memory_space<semaphore_mem>>
      %dma_start3A = arith.constant 0 : i32
      %dma_start3A_14 = tpu.memref_slice %arg7[%dma_start3A] : memref<112xf32, #tpu.memory_space<vmem>> -> memref<100xf32, #tpu.memory_space<vmem>>
      %dma_start3A_15 = arith.constant 0 : i32
      %dma_start3A_16 = tpu.memref_slice %arg7[%dma_start3A_15] : memref<112xf32, #tpu.memory_space<vmem>> -> memref<100xf32, #tpu.memory_space<vmem>>
      tpu.enqueue_dma source(%arg3 : memref<100xf32, #tpu.memory_space<hbm>>) target(%dma_start3A_16 : memref<100xf32, #tpu.memory_space<vmem>>) target_semaphore(%run_scoped3A_13 : memref<!tpu.dma_semaphore, #tpu.memory_space<semaphore_mem>>)
      %dma_wait3A = arith.constant 0 : i32
      %dma_wait3A_17 = tpu.memref_slice %arg7[%dma_wait3A] : memref<112xf32, #tpu.memory_space<vmem>> -> memref<100xf32, #tpu.memory_space<vmem>>
      %dma_wait3A_18 = arith.constant 0 : i32
      %dma_wait3A_19 = tpu.memref_slice %arg7[%dma_wait3A_18] : memref<112xf32, #tpu.memory_space<vmem>> -> memref<100xf32, #tpu.memory_space<vmem>>
      tpu.wait_dma2 semaphore(%run_scoped3A_13 : memref<!tpu.dma_semaphore, #tpu.memory_space<semaphore_mem>>) src(%arg3 : memref<100xf32, #tpu.memory_space<hbm>>) dst(%dma_wait3A_19 : memref<100xf32, #tpu.memory_space<vmem>>)
      tpu.yield
    }) : () -> ()
    "tpu.region"() ({
      %run_scoped3A_13 = tpu.sem_alloc : memref<!tpu.dma_semaphore, #tpu.memory_space<semaphore_mem>>
      %dma_start3A = arith.constant 0 : i32
      %dma_start3A_14 = tpu.memref_slice %arg8[%dma_start3A] : memref<112xf32, #tpu.memory_space<vmem>> -> memref<100xf32, #tpu.memory_space<vmem>>
      %dma_start3A_15 = arith.constant 0 : i32
      %dma_start3A_16 = tpu.memref_slice %arg8[%dma_start3A_15] : memref<112xf32, #tpu.memory_space<vmem>> -> memref<100xf32, #tpu.memory_space<vmem>>
      tpu.enqueue_dma source(%arg4 : memref<100xf32, #tpu.memory_space<hbm>>) target(%dma_start3A_16 : memref<100xf32, #tpu.memory_space<vmem>>) target_semaphore(%run_scoped3A_13 : memref<!tpu.dma_semaphore, #tpu.memory_space<semaphore_mem>>)
      %dma_wait3A = arith.constant 0 : i32
      %dma_wait3A_17 = tpu.memref_slice %arg8[%dma_wait3A] : memref<112xf32, #tpu.memory_space<vmem>> -> memref<100xf32, #tpu.memory_space<vmem>>
      %dma_wait3A_18 = arith.constant 0 : i32
      %dma_wait3A_19 = tpu.memref_slice %arg8[%dma_wait3A_18] : memref<112xf32, #tpu.memory_space<vmem>> -> memref<100xf32, #tpu.memory_space<vmem>>
      tpu.wait_dma2 semaphore(%run_scoped3A_13 : memref<!tpu.dma_semaphore, #tpu.memory_space<semaphore_mem>>) src(%arg4 : memref<100xf32, #tpu.memory_space<hbm>>) dst(%dma_wait3A_19 : memref<100xf32, #tpu.memory_space<vmem>>)
      tpu.yield
    }) : () -> ()
    %scan3A = arith.constant 0 : i32
    %scan3A_3 = arith.constant 7 : i32
    %scan3A_4 = arith.addi %scan3A, %scan3A_3 : i32
    %scan3A_5 = arith.constant 1 : i32
    scf.for %scan3A_13 = %scan3A to %scan3A_4 step %scan3A_5  : i32 {
      %mul3A_14 = arith.constant 16 : i32
      %mul3A_15 = arith.muli %scan3A_13, %mul3A_14 : i32
      %add3A_16 = arith.constant 0 : i32
      %add3A_17 = arith.addi %add3A_16, %mul3A_15 : i32
      %get3A = arith.index_cast %add3A_17 : i32 to index
      %get3A_18 = tpu.vector_load %arg8[%get3A] {strides = array<i32>} : memref<112xf32, #tpu.memory_space<vmem>>, vector<16xf32>,
      %neg3A = arith.constant 0.000000e+00 : f32
      %neg3A_19 = vector.broadcast %neg3A : f32 to vector<16xf32>
      %neg3A_20 = arith.subf %neg3A_19, %get3A_18 : vector<16xf32>
      %exp3A = math.exp %neg3A_20 : vector<16xf32>
      %add3A_21 = arith.constant 1.000000e+00 : f32
      %add3A_22 = vector.broadcast %add3A_21 : f32 to vector<16xf32>
      %add3A_23 = arith.addf %add3A_22, %exp3A : vector<16xf32>
      %div3A = arith.constant 1.000000e+00 : f32
      %div3A_24 = vector.broadcast %div3A : f32 to vector<16xf32>
      %div3A_25 = arith.divf %div3A_24, %add3A_23 : vector<16xf32>
      %get3A_26 = arith.index_cast %add3A_17 : i32 to index
      %get3A_27 = tpu.vector_load %arg7[%get3A_26] {strides = array<i32>} : memref<112xf32, #tpu.memory_space<vmem>>, vector<16xf32>,
      %mul3A_28 = arith.mulf %get3A_27, %div3A_25 : vector<16xf32>
      %swap3A = arith.index_cast %add3A_17 : i32 to index
      %swap3A_29 = tpu.vector_load %arg9[%swap3A] {strides = array<i32>} : memref<112xf32, #tpu.memory_space<vmem>>, vector<16xf32>,
      tpu.vector_store %arg9[%swap3A], %mul3A_28 {strides = array<i32>} : memref<112xf32, #tpu.memory_space<vmem>>, vector<16xf32>,
    }
    %scan3A_6 = arith.constant 7 : i32
    %scan3A_7 = arith.constant 0 : i32
    %scan3A_8 = arith.constant 32 : i32
    %scan3A_9 = arith.addi %scan3A_7, %scan3A_8 : i32
    %scan3A_10 = arith.constant 1 : i32
    scf.for %scan3A_13 = %scan3A_7 to %scan3A_9 step %scan3A_10  : i32 {
      %mul3A_14 = arith.constant 16 : i32
      %mul3A_15 = arith.muli %scan3A_13, %mul3A_14 : i32
      %add3A_16 = arith.constant 0 : i32
      %add3A_17 = arith.addi %add3A_16, %mul3A_15 : i32
      %get3A = arith.index_cast %add3A_17 : i32 to index
      %get3A_18 = tpu.vector_load %arg6[%get3A] {strides = array<i32>} : memref<512xi32, #tpu.memory_space<vmem>>, vector<16xi32>,
      %gather3A = tpu.vector_load_idx %arg9[%get3A_18] : memref<112xf32, #tpu.memory_space<vmem>>[vector<16xi32>], vector<16xf32>,
      %swap3A = arith.index_cast %add3A_17 : i32 to index
      %swap3A_19 = tpu.vector_load %arg10[%swap3A] {strides = array<i32>} : memref<512xf32, #tpu.memory_space<vmem>>, vector<16xf32>,
      tpu.vector_store %arg10[%swap3A], %gather3A {strides = array<i32>} : memref<512xf32, #tpu.memory_space<vmem>>, vector<16xf32>,
    }
    %scan3A_11 = arith.constant 32 : i32
    %run_scoped3A_12 = arith.constant 0 : i32
    "tpu.region"() ({
      %run_scoped3A_13 = tpu.sem_alloc : memref<!tpu.dma_semaphore, #tpu.memory_space<semaphore_mem>>
      %dma_start3A = tpu.memref_slice %arg5[%run_scoped3A_12, %mul3A_2] : memref<1x16384xf32, #tpu.memory_space<hbm>> -> memref<1x512xf32, #tpu.memory_space<hbm>>
      %dma_start3A_14 = tpu.memref_squeeze %dma_start3A : memref<1x512xf32, #tpu.memory_space<hbm>> -> memref<512xf32, #tpu.memory_space<hbm>>
      %dma_start3A_15 = tpu.memref_slice %arg5[%run_scoped3A_12, %mul3A_2] : memref<1x16384xf32, #tpu.memory_space<hbm>> -> memref<1x512xf32, #tpu.memory_space<hbm>>
      %dma_start3A_16 = tpu.memref_squeeze %dma_start3A_15 : memref<1x512xf32, #tpu.memory_space<hbm>> -> memref<512xf32, #tpu.memory_space<hbm>>
      tpu.enqueue_dma source(%arg10 : memref<512xf32, #tpu.memory_space<vmem>>) target(%dma_start3A_16 : memref<512xf32, #tpu.memory_space<hbm>>) target_semaphore(%run_scoped3A_13 : memref<!tpu.dma_semaphore, #tpu.memory_space<semaphore_mem>>)
      %dma_wait3A = tpu.memref_slice %arg5[%run_scoped3A_12, %mul3A_2] : memref<1x16384xf32, #tpu.memory_space<hbm>> -> memref<1x512xf32, #tpu.memory_space<hbm>>
      %dma_wait3A_17 = tpu.memref_squeeze %dma_wait3A : memref<1x512xf32, #tpu.memory_space<hbm>> -> memref<512xf32, #tpu.memory_space<hbm>>
      %dma_wait3A_18 = tpu.memref_slice %arg5[%run_scoped3A_12, %mul3A_2] : memref<1x16384xf32, #tpu.memory_space<hbm>> -> memref<1x512xf32, #tpu.memory_space<hbm>>
      %dma_wait3A_19 = tpu.memref_squeeze %dma_wait3A_18 : memref<1x512xf32, #tpu.memory_space<hbm>> -> memref<512xf32, #tpu.memory_space<hbm>>
      tpu.wait_dma2 semaphore(%run_scoped3A_13 : memref<!tpu.dma_semaphore, #tpu.memory_space<semaphore_mem>>) src(%arg10 : memref<512xf32, #tpu.memory_space<vmem>>) dst(%dma_wait3A_19 : memref<512xf32, #tpu.memory_space<hbm>>)
      tpu.yield
    }) : () -> ()
    return
  }
}

module attributes {stable_mosaic.version = 14 : i64} {
  func.func @_combine_body(%arg0: memref<2x4096xf32, #tpu.memory_space<vmem>>, %arg1: memref<2x4096xf32, #tpu.memory_space<vmem>>, %arg2: memref<2x4096xf32, #tpu.memory_space<vmem>>, %arg3: memref<2x4096xf32, #tpu.memory_space<vmem>>, %arg4: memref<1x16384xf32, #tpu.memory_space<vmem>>, %arg5: memref<1x1xf32, #tpu.memory_space<vmem>>) attributes {dimension_semantics = [], scalar_prefetch = 0 : i64, scratch_operands = 0 : i64, tpu.core_type = #tpu.core_type<tc>} {
    %get3A = arith.constant 0 : index
    %get3A_0 = arith.constant 0 : index
    %get3A_1 = vector.load %arg0[%get3A, %get3A_0] : memref<2x4096xf32, #tpu.memory_space<vmem>>, vector<2x4096xf32>
    %slice3A = vector.extract_strided_slice %get3A_1 {offsets = [0, 0], sizes = [1, 4096], strides = [1, 1]} : vector<2x4096xf32> to vector<1x4096xf32>
    %slice3A_2 = vector.extract_strided_slice %get3A_1 {offsets = [1, 0], sizes = [1, 4096], strides = [1, 1]} : vector<2x4096xf32> to vector<1x4096xf32>
    %get3A_3 = arith.constant 0 : index
    %get3A_4 = arith.constant 0 : index
    %get3A_5 = vector.load %arg4[%get3A_3, %get3A_4] : memref<1x16384xf32, #tpu.memory_space<vmem>>, vector<1x4096xf32>
    %mul3A = arith.constant 3.000000e+01 : f32
    %mul3A_6 = vector.broadcast %mul3A : f32 to vector<1x4096xf32>
    %mul3A_7 = arith.mulf %mul3A_6, %get3A_5 : vector<1x4096xf32>
    %exp3A = math.exp %slice3A_2 : vector<1x4096xf32>
    %sub3A = arith.subf %slice3A, %exp3A : vector<1x4096xf32>
    %sub3A_8 = arith.subf %slice3A_2, %mul3A_7 : vector<1x4096xf32>
    %exp3A_9 = math.exp %sub3A_8 : vector<1x4096xf32>
    %add3A = arith.addf %sub3A, %exp3A_9 : vector<1x4096xf32>
    %log3A = math.log %add3A : vector<1x4096xf32>
    %sub3A_10 = arith.subf %log3A, %slice3A_2 : vector<1x4096xf32>
    %add3A_11 = arith.addf %sub3A_10, %mul3A_7 : vector<1x4096xf32>
    %reduce_sum3A = arith.constant dense<0.000000e+00> : vector<1xf32>
    %reduce_sum3A_12 = vector.multi_reduction <add>, %add3A_11, %reduce_sum3A [1] : vector<1x4096xf32> to vector<1xf32>
    %broadcast_in_dim3A = vector.shape_cast %reduce_sum3A_12 : vector<1xf32> to vector<1x1xf32>
    %get3A_13 = arith.constant 0 : index
    %get3A_14 = arith.constant 0 : index
    %get3A_15 = vector.load %arg1[%get3A_13, %get3A_14] : memref<2x4096xf32, #tpu.memory_space<vmem>>, vector<2x4096xf32>
    %slice3A_16 = vector.extract_strided_slice %get3A_15 {offsets = [0, 0], sizes = [1, 4096], strides = [1, 1]} : vector<2x4096xf32> to vector<1x4096xf32>
    %slice3A_17 = vector.extract_strided_slice %get3A_15 {offsets = [1, 0], sizes = [1, 4096], strides = [1, 1]} : vector<2x4096xf32> to vector<1x4096xf32>
    %get3A_18 = arith.constant 0 : index
    %get3A_19 = arith.constant 4096 : index
    %get3A_20 = vector.load %arg4[%get3A_18, %get3A_19] : memref<1x16384xf32, #tpu.memory_space<vmem>>, vector<1x4096xf32>
    %mul3A_21 = arith.constant 3.000000e+01 : f32
    %mul3A_22 = vector.broadcast %mul3A_21 : f32 to vector<1x4096xf32>
    %mul3A_23 = arith.mulf %mul3A_22, %get3A_20 : vector<1x4096xf32>
    %exp3A_24 = math.exp %slice3A_17 : vector<1x4096xf32>
    %sub3A_25 = arith.subf %slice3A_16, %exp3A_24 : vector<1x4096xf32>
    %sub3A_26 = arith.subf %slice3A_17, %mul3A_23 : vector<1x4096xf32>
    %exp3A_27 = math.exp %sub3A_26 : vector<1x4096xf32>
    %add3A_28 = arith.addf %sub3A_25, %exp3A_27 : vector<1x4096xf32>
    %log3A_29 = math.log %add3A_28 : vector<1x4096xf32>
    %sub3A_30 = arith.subf %log3A_29, %slice3A_17 : vector<1x4096xf32>
    %add3A_31 = arith.addf %sub3A_30, %mul3A_23 : vector<1x4096xf32>
    %reduce_sum3A_32 = arith.constant dense<0.000000e+00> : vector<1xf32>
    %reduce_sum3A_33 = vector.multi_reduction <add>, %add3A_31, %reduce_sum3A_32 [1] : vector<1x4096xf32> to vector<1xf32>
    %broadcast_in_dim3A_34 = vector.shape_cast %reduce_sum3A_33 : vector<1xf32> to vector<1x1xf32>
    %add3A_35 = arith.addf %broadcast_in_dim3A, %broadcast_in_dim3A_34 : vector<1x1xf32>
    %get3A_36 = arith.constant 0 : index
    %get3A_37 = arith.constant 0 : index
    %get3A_38 = vector.load %arg2[%get3A_36, %get3A_37] : memref<2x4096xf32, #tpu.memory_space<vmem>>, vector<2x4096xf32>
    %slice3A_39 = vector.extract_strided_slice %get3A_38 {offsets = [0, 0], sizes = [1, 4096], strides = [1, 1]} : vector<2x4096xf32> to vector<1x4096xf32>
    %slice3A_40 = vector.extract_strided_slice %get3A_38 {offsets = [1, 0], sizes = [1, 4096], strides = [1, 1]} : vector<2x4096xf32> to vector<1x4096xf32>
    %get3A_41 = arith.constant 0 : index
    %get3A_42 = arith.constant 8192 : index
    %get3A_43 = vector.load %arg4[%get3A_41, %get3A_42] : memref<1x16384xf32, #tpu.memory_space<vmem>>, vector<1x4096xf32>
    %mul3A_44 = arith.constant 3.000000e+01 : f32
    %mul3A_45 = vector.broadcast %mul3A_44 : f32 to vector<1x4096xf32>
    %mul3A_46 = arith.mulf %mul3A_45, %get3A_43 : vector<1x4096xf32>
    %exp3A_47 = math.exp %slice3A_40 : vector<1x4096xf32>
    %sub3A_48 = arith.subf %slice3A_39, %exp3A_47 : vector<1x4096xf32>
    %sub3A_49 = arith.subf %slice3A_40, %mul3A_46 : vector<1x4096xf32>
    %exp3A_50 = math.exp %sub3A_49 : vector<1x4096xf32>
    %add3A_51 = arith.addf %sub3A_48, %exp3A_50 : vector<1x4096xf32>
    %log3A_52 = math.log %add3A_51 : vector<1x4096xf32>
    %sub3A_53 = arith.subf %log3A_52, %slice3A_40 : vector<1x4096xf32>
    %add3A_54 = arith.addf %sub3A_53, %mul3A_46 : vector<1x4096xf32>
    %reduce_sum3A_55 = arith.constant dense<0.000000e+00> : vector<1xf32>
    %reduce_sum3A_56 = vector.multi_reduction <add>, %add3A_54, %reduce_sum3A_55 [1] : vector<1x4096xf32> to vector<1xf32>
    %broadcast_in_dim3A_57 = vector.shape_cast %reduce_sum3A_56 : vector<1xf32> to vector<1x1xf32>
    %add3A_58 = arith.addf %add3A_35, %broadcast_in_dim3A_57 : vector<1x1xf32>
    %get3A_59 = arith.constant 0 : index
    %get3A_60 = arith.constant 0 : index
    %get3A_61 = vector.load %arg3[%get3A_59, %get3A_60] : memref<2x4096xf32, #tpu.memory_space<vmem>>, vector<2x4096xf32>
    %slice3A_62 = vector.extract_strided_slice %get3A_61 {offsets = [0, 0], sizes = [1, 4096], strides = [1, 1]} : vector<2x4096xf32> to vector<1x4096xf32>
    %slice3A_63 = vector.extract_strided_slice %get3A_61 {offsets = [1, 0], sizes = [1, 4096], strides = [1, 1]} : vector<2x4096xf32> to vector<1x4096xf32>
    %get3A_64 = arith.constant 0 : index
    %get3A_65 = arith.constant 12288 : index
    %get3A_66 = vector.load %arg4[%get3A_64, %get3A_65] : memref<1x16384xf32, #tpu.memory_space<vmem>>, vector<1x4096xf32>
    %mul3A_67 = arith.constant 3.000000e+01 : f32
    %mul3A_68 = vector.broadcast %mul3A_67 : f32 to vector<1x4096xf32>
    %mul3A_69 = arith.mulf %mul3A_68, %get3A_66 : vector<1x4096xf32>
    %exp3A_70 = math.exp %slice3A_63 : vector<1x4096xf32>
    %sub3A_71 = arith.subf %slice3A_62, %exp3A_70 : vector<1x4096xf32>
    %sub3A_72 = arith.subf %slice3A_63, %mul3A_69 : vector<1x4096xf32>
    %exp3A_73 = math.exp %sub3A_72 : vector<1x4096xf32>
    %add3A_74 = arith.addf %sub3A_71, %exp3A_73 : vector<1x4096xf32>
    %log3A_75 = math.log %add3A_74 : vector<1x4096xf32>
    %sub3A_76 = arith.subf %log3A_75, %slice3A_63 : vector<1x4096xf32>
    %add3A_77 = arith.addf %sub3A_76, %mul3A_69 : vector<1x4096xf32>
    %reduce_sum3A_78 = arith.constant dense<0.000000e+00> : vector<1xf32>
    %reduce_sum3A_79 = vector.multi_reduction <add>, %add3A_77, %reduce_sum3A_78 [1] : vector<1x4096xf32> to vector<1xf32>
    %broadcast_in_dim3A_80 = vector.shape_cast %reduce_sum3A_79 : vector<1xf32> to vector<1x1xf32>
    %add3A_81 = arith.addf %add3A_58, %broadcast_in_dim3A_80 : vector<1x1xf32>
    %div3A = arith.constant 1.638400e+04 : f32
    %div3A_82 = vector.broadcast %div3A : f32 to vector<1x1xf32>
    %div3A_83 = arith.divf %add3A_81, %div3A_82 : vector<1x1xf32>
    %swap3A = arith.constant 0 : index
    %swap3A_84 = arith.constant 0 : index
    %swap3A_85 = vector.load %arg5[%swap3A, %swap3A_84] : memref<1x1xf32, #tpu.memory_space<vmem>>, vector<1x1xf32>
    tpu.vector_store %arg5[%swap3A, %swap3A_84], %div3A_83 {strides = array<i32>} : memref<1x1xf32, #tpu.memory_space<vmem>>, vector<1x1xf32>,
    return
  }
}

module attributes {stable_mosaic.version = 14 : i64} {
  func.func @_stats_body(%arg0: i32, %arg1: memref<100x2048xf32, #tpu.memory_space<vmem>>, %arg2: memref<100x2048xf32, #tpu.memory_space<vmem>>, %arg3: memref<100x2048xf32, #tpu.memory_space<vmem>>, %arg4: memref<100x2048xf32, #tpu.memory_space<vmem>>, %arg5: memref<1x2048xi32, #tpu.memory_space<vmem>>, %arg6: memref<1x2048xi32, #tpu.memory_space<vmem>>, %arg7: memref<1x2048xi32, #tpu.memory_space<vmem>>, %arg8: memref<1x2048xi32, #tpu.memory_space<vmem>>, %arg9: memref<2x2048xf32, #tpu.memory_space<vmem>>, %arg10: memref<2x2048xf32, #tpu.memory_space<vmem>>, %arg11: memref<2x2048xf32, #tpu.memory_space<vmem>>, %arg12: memref<2x2048xf32, #tpu.memory_space<vmem>>) attributes {dimension_semantics = [#tpu.dimension_semantics<arbitrary>], iteration_bounds = array<i64: 2>, scalar_prefetch = 0 : i64, scratch_operands = 0 : i64, tpu.core_type = #tpu.core_type<tc>, window_params = [{transform_indices = @transform_0, window_bounds = array<i64: 100, 2048>}, {transform_indices = @transform_1, window_bounds = array<i64: 100, 2048>}, {transform_indices = @transform_2, window_bounds = array<i64: 100, 2048>}, {transform_indices = @transform_3, window_bounds = array<i64: 100, 2048>}, {transform_indices = @transform_4, window_bounds = array<i64: 1, 2048>}, {transform_indices = @transform_5, window_bounds = array<i64: 1, 2048>}, {transform_indices = @transform_6, window_bounds = array<i64: 1, 2048>}, {transform_indices = @transform_7, window_bounds = array<i64: 1, 2048>}, {transform_indices = @transform_8, window_bounds = array<i64: 2, 2048>}, {transform_indices = @transform_9, window_bounds = array<i64: 2, 2048>}, {transform_indices = @transform_10, window_bounds = array<i64: 2, 2048>}, {transform_indices = @transform_11, window_bounds = array<i64: 2, 2048>}]} {
    %get3A = arith.constant 0 : index
    %get3A_0 = arith.constant 0 : index
    %get3A_1 = vector.load %arg1[%get3A, %get3A_0] : memref<100x2048xf32, #tpu.memory_space<vmem>>, vector<100x2048xf32>
    %get3A_2 = arith.constant 0 : index
    %get3A_3 = arith.constant 0 : index
    %get3A_4 = vector.load %arg5[%get3A_2, %get3A_3] : memref<1x2048xi32, #tpu.memory_space<vmem>>, vector<1x2048xi32>
    %iota3A = tpu.iota {dimensions = array<i32: 0>} : vector<100x2048xi32>
    %eq3A = vector.broadcast %get3A_4 : vector<1x2048xi32> to vector<100x2048xi32>
    %eq3A_5 = arith.cmpi eq, %iota3A, %eq3A : vector<100x2048xi32>
    %jit3A = arith.constant 0.000000e+00 : f32
    %broadcast_in_dim3A = vector.broadcast %jit3A : f32 to vector<100x2048xf32>
    %select_n3A = arith.select %eq3A_5, %get3A_1, %broadcast_in_dim3A : vector<100x2048xi1>, vector<100x2048xf32>
    %reduce_sum3A = arith.constant dense<0.000000e+00> : vector<2048xf32>
    %reduce_sum3A_6 = vector.multi_reduction <add>, %select_n3A, %reduce_sum3A [0] : vector<100x2048xf32> to vector<2048xf32>
    %broadcast_in_dim3A_7 = vector.shape_cast %reduce_sum3A_6 : vector<2048xf32> to vector<1x2048xf32>
    %reduce_max3A = arith.constant dense<0xFF800000> : vector<2048xf32>
    %reduce_max3A_8 = vector.multi_reduction <maximumf>, %get3A_1, %reduce_max3A [0] : vector<100x2048xf32> to vector<2048xf32>
    %broadcast_in_dim3A_9 = vector.shape_cast %reduce_max3A_8 : vector<2048xf32> to vector<1x2048xf32>
    %sub3A = vector.broadcast %broadcast_in_dim3A_9 : vector<1x2048xf32> to vector<100x2048xf32>
    %sub3A_10 = arith.subf %get3A_1, %sub3A : vector<100x2048xf32>
    %exp3A = math.exp %sub3A_10 : vector<100x2048xf32>
    %reduce_sum3A_11 = arith.constant dense<0.000000e+00> : vector<2048xf32>
    %reduce_sum3A_12 = vector.multi_reduction <add>, %exp3A, %reduce_sum3A_11 [0] : vector<100x2048xf32> to vector<2048xf32>
    %broadcast_in_dim3A_13 = vector.shape_cast %reduce_sum3A_12 : vector<2048xf32> to vector<1x2048xf32>
    %sub3A_14 = arith.subf %broadcast_in_dim3A_7, %broadcast_in_dim3A_9 : vector<1x2048xf32>
    %concatenate3A = tpu.concatenate %broadcast_in_dim3A_13, %sub3A_14 in 0 : vector<1x2048xf32>, vector<1x2048xf32> -> vector<2x2048xf32>
    %swap3A = arith.constant 0 : index
    %swap3A_15 = arith.constant 0 : index
    %swap3A_16 = vector.load %arg9[%swap3A, %swap3A_15] : memref<2x2048xf32, #tpu.memory_space<vmem>>, vector<2x2048xf32>
    tpu.vector_store %arg9[%swap3A, %swap3A_15], %concatenate3A {strides = array<i32>} : memref<2x2048xf32, #tpu.memory_space<vmem>>, vector<2x2048xf32>,
    %get3A_17 = arith.constant 0 : index
    %get3A_18 = arith.constant 0 : index
    %get3A_19 = vector.load %arg2[%get3A_17, %get3A_18] : memref<100x2048xf32, #tpu.memory_space<vmem>>, vector<100x2048xf32>
    %get3A_20 = arith.constant 0 : index
    %get3A_21 = arith.constant 0 : index
    %get3A_22 = vector.load %arg6[%get3A_20, %get3A_21] : memref<1x2048xi32, #tpu.memory_space<vmem>>, vector<1x2048xi32>
    %iota3A_23 = tpu.iota {dimensions = array<i32: 0>} : vector<100x2048xi32>
    %eq3A_24 = vector.broadcast %get3A_22 : vector<1x2048xi32> to vector<100x2048xi32>
    %eq3A_25 = arith.cmpi eq, %iota3A_23, %eq3A_24 : vector<100x2048xi32>
    %jit3A_26 = arith.constant 0.000000e+00 : f32
    %broadcast_in_dim3A_27 = vector.broadcast %jit3A_26 : f32 to vector<100x2048xf32>
    %select_n3A_28 = arith.select %eq3A_25, %get3A_19, %broadcast_in_dim3A_27 : vector<100x2048xi1>, vector<100x2048xf32>
    %reduce_sum3A_29 = arith.constant dense<0.000000e+00> : vector<2048xf32>
    %reduce_sum3A_30 = vector.multi_reduction <add>, %select_n3A_28, %reduce_sum3A_29 [0] : vector<100x2048xf32> to vector<2048xf32>
    %broadcast_in_dim3A_31 = vector.shape_cast %reduce_sum3A_30 : vector<2048xf32> to vector<1x2048xf32>
    %reduce_max3A_32 = arith.constant dense<0xFF800000> : vector<2048xf32>
    %reduce_max3A_33 = vector.multi_reduction <maximumf>, %get3A_19, %reduce_max3A_32 [0] : vector<100x2048xf32> to vector<2048xf32>
    %broadcast_in_dim3A_34 = vector.shape_cast %reduce_max3A_33 : vector<2048xf32> to vector<1x2048xf32>
    %sub3A_35 = vector.broadcast %broadcast_in_dim3A_34 : vector<1x2048xf32> to vector<100x2048xf32>
    %sub3A_36 = arith.subf %get3A_19, %sub3A_35 : vector<100x2048xf32>
    %exp3A_37 = math.exp %sub3A_36 : vector<100x2048xf32>
    %reduce_sum3A_38 = arith.constant dense<0.000000e+00> : vector<2048xf32>
    %reduce_sum3A_39 = vector.multi_reduction <add>, %exp3A_37, %reduce_sum3A_38 [0] : vector<100x2048xf32> to vector<2048xf32>
    %broadcast_in_dim3A_40 = vector.shape_cast %reduce_sum3A_39 : vector<2048xf32> to vector<1x2048xf32>
    %sub3A_41 = arith.subf %broadcast_in_dim3A_31, %broadcast_in_dim3A_34 : vector<1x2048xf32>
    %concatenate3A_42 = tpu.concatenate %broadcast_in_dim3A_40, %sub3A_41 in 0 : vector<1x2048xf32>, vector<1x2048xf32> -> vector<2x2048xf32>
    %swap3A_43 = arith.constant 0 : index
    %swap3A_44 = arith.constant 0 : index
    %swap3A_45 = vector.load %arg10[%swap3A_43, %swap3A_44] : memref<2x2048xf32, #tpu.memory_space<vmem>>, vector<2x2048xf32>
    tpu.vector_store %arg10[%swap3A_43, %swap3A_44], %concatenate3A_42 {strides = array<i32>} : memref<2x2048xf32, #tpu.memory_space<vmem>>, vector<2x2048xf32>,
    %get3A_46 = arith.constant 0 : index
    %get3A_47 = arith.constant 0 : index
    %get3A_48 = vector.load %arg3[%get3A_46, %get3A_47] : memref<100x2048xf32, #tpu.memory_space<vmem>>, vector<100x2048xf32>
    %get3A_49 = arith.constant 0 : index
    %get3A_50 = arith.constant 0 : index
    %get3A_51 = vector.load %arg7[%get3A_49, %get3A_50] : memref<1x2048xi32, #tpu.memory_space<vmem>>, vector<1x2048xi32>
    %iota3A_52 = tpu.iota {dimensions = array<i32: 0>} : vector<100x2048xi32>
    %eq3A_53 = vector.broadcast %get3A_51 : vector<1x2048xi32> to vector<100x2048xi32>
    %eq3A_54 = arith.cmpi eq, %iota3A_52, %eq3A_53 : vector<100x2048xi32>
    %jit3A_55 = arith.constant 0.000000e+00 : f32
    %broadcast_in_dim3A_56 = vector.broadcast %jit3A_55 : f32 to vector<100x2048xf32>
    %select_n3A_57 = arith.select %eq3A_54, %get3A_48, %broadcast_in_dim3A_56 : vector<100x2048xi1>, vector<100x2048xf32>
    %reduce_sum3A_58 = arith.constant dense<0.000000e+00> : vector<2048xf32>
    %reduce_sum3A_59 = vector.multi_reduction <add>, %select_n3A_57, %reduce_sum3A_58 [0] : vector<100x2048xf32> to vector<2048xf32>
    %broadcast_in_dim3A_60 = vector.shape_cast %reduce_sum3A_59 : vector<2048xf32> to vector<1x2048xf32>
    %reduce_max3A_61 = arith.constant dense<0xFF800000> : vector<2048xf32>
    %reduce_max3A_62 = vector.multi_reduction <maximumf>, %get3A_48, %reduce_max3A_61 [0] : vector<100x2048xf32> to vector<2048xf32>
    %broadcast_in_dim3A_63 = vector.shape_cast %reduce_max3A_62 : vector<2048xf32> to vector<1x2048xf32>
    %sub3A_64 = vector.broadcast %broadcast_in_dim3A_63 : vector<1x2048xf32> to vector<100x2048xf32>
    %sub3A_65 = arith.subf %get3A_48, %sub3A_64 : vector<100x2048xf32>
    %exp3A_66 = math.exp %sub3A_65 : vector<100x2048xf32>
    %reduce_sum3A_67 = arith.constant dense<0.000000e+00> : vector<2048xf32>
    %reduce_sum3A_68 = vector.multi_reduction <add>, %exp3A_66, %reduce_sum3A_67 [0] : vector<100x2048xf32> to vector<2048xf32>
    %broadcast_in_dim3A_69 = vector.shape_cast %reduce_sum3A_68 : vector<2048xf32> to vector<1x2048xf32>
    %sub3A_70 = arith.subf %broadcast_in_dim3A_60, %broadcast_in_dim3A_63 : vector<1x2048xf32>
    %concatenate3A_71 = tpu.concatenate %broadcast_in_dim3A_69, %sub3A_70 in 0 : vector<1x2048xf32>, vector<1x2048xf32> -> vector<2x2048xf32>
    %swap3A_72 = arith.constant 0 : index
    %swap3A_73 = arith.constant 0 : index
    %swap3A_74 = vector.load %arg11[%swap3A_72, %swap3A_73] : memref<2x2048xf32, #tpu.memory_space<vmem>>, vector<2x2048xf32>
    tpu.vector_store %arg11[%swap3A_72, %swap3A_73], %concatenate3A_71 {strides = array<i32>} : memref<2x2048xf32, #tpu.memory_space<vmem>>, vector<2x2048xf32>,
    %get3A_75 = arith.constant 0 : index
    %get3A_76 = arith.constant 0 : index
    %get3A_77 = vector.load %arg4[%get3A_75, %get3A_76] : memref<100x2048xf32, #tpu.memory_space<vmem>>, vector<100x2048xf32>
    %get3A_78 = arith.constant 0 : index
    %get3A_79 = arith.constant 0 : index
    %get3A_80 = vector.load %arg8[%get3A_78, %get3A_79] : memref<1x2048xi32, #tpu.memory_space<vmem>>, vector<1x2048xi32>
    %iota3A_81 = tpu.iota {dimensions = array<i32: 0>} : vector<100x2048xi32>
    %eq3A_82 = vector.broadcast %get3A_80 : vector<1x2048xi32> to vector<100x2048xi32>
    %eq3A_83 = arith.cmpi eq, %iota3A_81, %eq3A_82 : vector<100x2048xi32>
    %jit3A_84 = arith.constant 0.000000e+00 : f32
    %broadcast_in_dim3A_85 = vector.broadcast %jit3A_84 : f32 to vector<100x2048xf32>
    %select_n3A_86 = arith.select %eq3A_83, %get3A_77, %broadcast_in_dim3A_85 : vector<100x2048xi1>, vector<100x2048xf32>
    %reduce_sum3A_87 = arith.constant dense<0.000000e+00> : vector<2048xf32>
    %reduce_sum3A_88 = vector.multi_reduction <add>, %select_n3A_86, %reduce_sum3A_87 [0] : vector<100x2048xf32> to vector<2048xf32>
    %broadcast_in_dim3A_89 = vector.shape_cast %reduce_sum3A_88 : vector<2048xf32> to vector<1x2048xf32>
    %reduce_max3A_90 = arith.constant dense<0xFF800000> : vector<2048xf32>
    %reduce_max3A_91 = vector.multi_reduction <maximumf>, %get3A_77, %reduce_max3A_90 [0] : vector<100x2048xf32> to vector<2048xf32>
    %broadcast_in_dim3A_92 = vector.shape_cast %reduce_max3A_91 : vector<2048xf32> to vector<1x2048xf32>
    %sub3A_93 = vector.broadcast %broadcast_in_dim3A_92 : vector<1x2048xf32> to vector<100x2048xf32>
    %sub3A_94 = arith.subf %get3A_77, %sub3A_93 : vector<100x2048xf32>
    %exp3A_95 = math.exp %sub3A_94 : vector<100x2048xf32>
    %reduce_sum3A_96 = arith.constant dense<0.000000e+00> : vector<2048xf32>
    %reduce_sum3A_97 = vector.multi_reduction <add>, %exp3A_95, %reduce_sum3A_96 [0] : vector<100x2048xf32> to vector<2048xf32>
    %broadcast_in_dim3A_98 = vector.shape_cast %reduce_sum3A_97 : vector<2048xf32> to vector<1x2048xf32>
    %sub3A_99 = arith.subf %broadcast_in_dim3A_89, %broadcast_in_dim3A_92 : vector<1x2048xf32>
    %concatenate3A_100 = tpu.concatenate %broadcast_in_dim3A_98, %sub3A_99 in 0 : vector<1x2048xf32>, vector<1x2048xf32> -> vector<2x2048xf32>
    %swap3A_101 = arith.constant 0 : index
    %swap3A_102 = arith.constant 0 : index
    %swap3A_103 = vector.load %arg12[%swap3A_101, %swap3A_102] : memref<2x2048xf32, #tpu.memory_space<vmem>>, vector<2x2048xf32>
    tpu.vector_store %arg12[%swap3A_101, %swap3A_102], %concatenate3A_100 {strides = array<i32>} : memref<2x2048xf32, #tpu.memory_space<vmem>>, vector<2x2048xf32>,
    return
  }
  func.func @transform_0(%arg0: i32) -> (i32, i32) {
    %add3A = arith.constant 0 : i32
    %add3A_0 = arith.addi %arg0, %add3A : i32
    %c0_i32 = arith.constant 0 : i32
    %c0_i32_1 = arith.constant 0 : i32
    return %c0_i32, %add3A_0 : i32, i32
  }
  func.func @transform_1(%arg0: i32) -> (i32, i32) {
    %add3A = arith.constant 2 : i32
    %add3A_0 = arith.addi %arg0, %add3A : i32
    %c0_i32 = arith.constant 0 : i32
    %c0_i32_1 = arith.constant 0 : i32
    return %c0_i32, %add3A_0 : i32, i32
  }
  func.func @transform_2(%arg0: i32) -> (i32, i32) {
    %add3A = arith.constant 4 : i32
    %add3A_0 = arith.addi %arg0, %add3A : i32
    %c0_i32 = arith.constant 0 : i32
    %c0_i32_1 = arith.constant 0 : i32
    return %c0_i32, %add3A_0 : i32, i32
  }
  func.func @transform_3(%arg0: i32) -> (i32, i32) {
    %add3A = arith.constant 6 : i32
    %add3A_0 = arith.addi %arg0, %add3A : i32
    %c0_i32 = arith.constant 0 : i32
    %c0_i32_1 = arith.constant 0 : i32
    return %c0_i32, %add3A_0 : i32, i32
  }
  func.func @transform_4(%arg0: i32) -> (i32, i32) {
    %add3A = arith.constant 0 : i32
    %add3A_0 = arith.addi %arg0, %add3A : i32
    %c0_i32 = arith.constant 0 : i32
    %c0_i32_1 = arith.constant 0 : i32
    return %c0_i32, %add3A_0 : i32, i32
  }
  func.func @transform_5(%arg0: i32) -> (i32, i32) {
    %add3A = arith.constant 2 : i32
    %add3A_0 = arith.addi %arg0, %add3A : i32
    %c0_i32 = arith.constant 0 : i32
    %c0_i32_1 = arith.constant 0 : i32
    return %c0_i32, %add3A_0 : i32, i32
  }
  func.func @transform_6(%arg0: i32) -> (i32, i32) {
    %add3A = arith.constant 4 : i32
    %add3A_0 = arith.addi %arg0, %add3A : i32
    %c0_i32 = arith.constant 0 : i32
    %c0_i32_1 = arith.constant 0 : i32
    return %c0_i32, %add3A_0 : i32, i32
  }
  func.func @transform_7(%arg0: i32) -> (i32, i32) {
    %add3A = arith.constant 6 : i32
    %add3A_0 = arith.addi %arg0, %add3A : i32
    %c0_i32 = arith.constant 0 : i32
    %c0_i32_1 = arith.constant 0 : i32
    return %c0_i32, %add3A_0 : i32, i32
  }
  func.func @transform_8(%arg0: i32) -> (i32, i32) {
    %c0_i32 = arith.constant 0 : i32
    %c0_i32_0 = arith.constant 0 : i32
    return %c0_i32, %arg0 : i32, i32
  }
  func.func @transform_9(%arg0: i32) -> (i32, i32) {
    %c0_i32 = arith.constant 0 : i32
    %c0_i32_0 = arith.constant 0 : i32
    return %c0_i32, %arg0 : i32, i32
  }
  func.func @transform_10(%arg0: i32) -> (i32, i32) {
    %c0_i32 = arith.constant 0 : i32
    %c0_i32_0 = arith.constant 0 : i32
    return %c0_i32, %arg0 : i32, i32
  }
  func.func @transform_11(%arg0: i32) -> (i32, i32) {
    %c0_i32 = arith.constant 0 : i32
    %c0_i32_0 = arith.constant 0 : i32
    return %c0_i32, %arg0 : i32, i32
  }
}

</mosaic_0001>

<sc_bundles>
// kernel: kernel.5.cloned.1.call-start
scs
__scs_entry_jumppad:
0x0: {  	(pc) =	sbr.rel $0x88, $3  }
0x1: {  	(tag) =	ssettag $0x0;
	lr =	simm.s32 $0x1  }
0x2: {  	[smem:$0x3F9D] =	sst lr;
	_ =	strace $0xD0000000  }
0x3: {  	_ = 	snop  }
0x4: {  	_ = 	snop  }
0x5: {  	_ = 	snop  }
0x6: {  	_ = 	snop  }
0x7: {  	_ = 	snop  }
__scs_overlays_trampoline_lowered:
0x8: {  	[smem:$0x3FAC] =	sst s0  }
0x9: {  	[smem:$0x3FAD] =	sst s1  }
0xa: {  	[smem:$0x3FAE] =	sst s2  }
0xb: {  	[smem:$0x3FAF] =	sst s3  }
0xc: {  	[smem:$0x3FB0] =	sst s4  }
0xd: {  	[smem:$0x3FB1] =	sst s5  }
0xe: {  	[smem:$0x3FB2] =	sst s6  }
0xf: {  	[smem:$0x3FB3] =	sst s7  }
0x10: {  	[smem:$0x3FB4] =	sst s8  }
0x11: {  	[smem:$0x3FB5] =	sst s9;
	s0 =	simm.s32 @!p0 $0x0  }
0x12: {  	s1 =	sld [smem:$0x3F9B];
	s0 =	simm.s32 @p0 $0x1  }
0x13: {  	[smem:$0x3FB6] =	sst s0;
	s0 =	simm.s32 @!p1 $0x0  }
0x14: {  	s2 =	sld [smem:$0x3F9A];
	s0 =	simm.s32 @p1 $0x1  }
0x15: {  	[smem:$0x3FB7] =	sst s0;
	s0 =	simm.s32 @!p2 $0x0  }
0x16: {  	s3 =	sld [smem:$0x3FDB];
	s0 =	simm.s32 @p2 $0x1  }
0x17: {  	s4 =	simm.s32 $0x1BF5;
	[smem:$0x3FB9] =	sst s0  }
0x18: {  	s0 =	sld [smem:$0x3F9C];
	_ =	swait.ge [sflag:s4], $0x0  }
0x19: {  	s7 =	sld [smem:$0x3F9D]  }
0x1a: {  	s8 =	sadd.s32 $0xFFFFE003, lr  }
0x1b: {  	s9 =	sadd.s32 $0xFFFFFEF7, lr;
	s5 =	simm.s32 $0xFFFFFFFF;
	p2 =	slt.u32 s8, $0xFFFFF086  }
0x1c: {  	p1 =	slt.u32 s9, $0xF7A;
	s5 =	simm.s32 @!p2 $0x0  }
0x1d: {  	s5 =	simm.s32 @p1 $0x1;
	p0 =	seq.s32 s7, s2  }
0x1e: {  	s7 =	smul.u32 @!p0 $0xF7A, s2;
	p2 =	seq.s32 @!p0 s5, $0x0  }
0x1f: {  	s9 =	smul.u32 $0xF7A, s1;
	s8 =	simm.s32 @!p0 $0x1BF5;
	p2 =	por !p2, p0  }
0x20: {  	[sflag:s8] =	ssyncset.s32 @!p0 $0xFFFFF086;
	s6 =	sadd.s32 @!p0 s3, s7;
	s7 =	simm.s32 @!p0 $0x108  }
0x21: {  	s3 =	sadd.s32 s3, s9;
	s6 =	sadd.s32 @!p0 $0x88, s6;
	s7 =	simm.s32 @p2 $0x1082  }
0x22: {  	[simem:s7], [sflag:s8] =	dma.local @!p0 [hbm:s6], $0xF7A  }
0x23: {  	s9 =	sor.u32 $0xD0000000, s2;
	s6 =	simm.s32 $0x108;
	_ =	swait.ge @!p0 [sflag:s8], $0x0  }
0x24: {  	s3 =	sadd.s32 $0x88, s3;
	s6 =	simm.s32 @!p1 $0x1082;
	[sflag:s4] =	ssyncset.s32 $0xFFFFF086  }
0x25: {  	[simem:s6], [sflag:s4] =	dma.local [hbm:s3], $0xF7A  }
0x26: {  	[smem:$0x3F9D] =	sst s1;
	(tag) =	ssettag s2;
	_ =	strace s9  }
0x27: {  	s1 =	sld [smem:$0x3FAD]  }
0x28: {  	s2 =	sld [smem:$0x3FAE]  }
0x29: {  	s4 =	sld [smem:$0x3FB0]  }
0x2a: {  	p0 =	seq.s32 s5, $0x0;
	s5 =	sld [smem:$0x3FB1]  }
0x2b: {  	s6 =	sld [smem:$0x3FB2]  }
0x2c: {  	s7 =	sld [smem:$0x3FB3]  }
0x2d: {  	s3 =	simm.s32 $0x108;
	s8 =	sld [smem:$0x3FB4]  }
0x2e: {  	s3 =	simm.s32 @!p0 $0x1082;
	s9 =	sld [smem:$0x3FB5]  }
0x2f: {  	lr =	sadd.s32 s0, s3;
	s0 =	sld [smem:$0x3FAC]  }
0x30: {  	s3 =	sld [smem:$0x3FAF]  }
0x31: {  	[smem:$0x3FB8] =	sst s10  }
0x32: {  	s10 =	sld [smem:$0x3FB6];
	_ =	sdelay $0x3  }
0x33: {  	p0 =	seq.s32 s10, $0x1;
	s10 =	sld [smem:$0x3FB8];
	_ =	sdelay $0x3  }
0x34: {  	[smem:$0x3FB8] =	sst s10  }
0x35: {  	s10 =	sld [smem:$0x3FB7];
	_ =	sdelay $0x3  }
0x36: {  	p1 =	seq.s32 s10, $0x1;
	s10 =	sld [smem:$0x3FB8];
	_ =	sdelay $0x3  }
0x37: {  	[smem:$0x3FB8] =	sst s10  }
0x38: {  	s10 =	sld [smem:$0x3FB9]  }
0x39: {  	_ = 	snop;
	(pc) =	sbr.ind lr, $3  }
0x3a: {  	_ = 	snop  }
0x3b: {  	_ = 	snop  }
0x3c: {  	p2 =	seq.s32 s10, $0x1;
	s10 =	sld [smem:$0x3FB8]  }
0x3d: {  	_ =	shalt  }
0x3e: {  	_ =	shalt  }
0x3f: {  	_ =	shalt  }
0x40: {  	_ =	shalt  }
0x41: {  	_ =	shalt  }
0x42: {  	_ =	shalt  }
0x43: {  	_ =	shalt  }
0x44: {  	_ =	shalt  }
0x45: {  	_ =	shalt  }
0x46: {  	_ =	shalt  }
0x47: {  	_ =	shalt  }
0x48: {  	_ =	shalt  }
0x49: {  	_ =	shalt  }
0x4a: {  	_ =	shalt  }
0x4b: {  	_ =	shalt  }
0x4c: {  	_ =	shalt  }
0x4d: {  	_ =	shalt  }
0x4e: {  	_ =	shalt  }
0x4f: {  	_ =	shalt  }
0x50: {  	_ =	shalt  }
0x51: {  	_ =	shalt  }
0x52: {  	_ =	shalt  }
0x53: {  	_ =	shalt  }
0x54: {  	_ =	shalt  }
0x55: {  	_ =	shalt  }
0x56: {  	_ =	shalt  }
0x57: {  	_ =	shalt  }
0x58: {  	_ =	shalt  }
0x59: {  	_ =	shalt  }
0x5a: {  	_ =	shalt  }
0x5b: {  	_ =	shalt  }
0x5c: {  	_ =	shalt  }
0x5d: {  	_ =	shalt  }
0x5e: {  	_ =	shalt  }
0x5f: {  	_ =	shalt  }
0x60: {  	_ =	shalt  }
0x61: {  	_ =	shalt  }
0x62: {  	_ =	shalt  }
0x63: {  	_ =	shalt  }
0x64: {  	_ =	shalt  }
0x65: {  	_ =	shalt  }
0x66: {  	_ =	shalt  }
0x67: {  	_ =	shalt  }
0x68: {  	_ =	shalt  }
0x69: {  	_ =	shalt  }
0x6a: {  	_ =	shalt  }
0x6b: {  	_ =	shalt  }
0x6c: {  	_ =	shalt  }
0x6d: {  	_ =	shalt  }
0x6e: {  	_ =	shalt  }
0x6f: {  	_ =	shalt  }
0x70: {  	_ =	shalt  }
0x71: {  	_ =	shalt  }
0x72: {  	_ =	shalt  }
0x73: {  	_ =	shalt  }
0x74: {  	_ =	shalt  }
0x75: {  	_ =	shalt  }
0x76: {  	_ =	shalt  }
0x77: {  	_ =	shalt  }
0x78: {  	_ =	shalt  }
0x79: {  	_ =	shalt  }
0x7a: {  	_ =	shalt  }
0x7b: {  	_ =	shalt  }
0x7c: {  	_ =	shalt  }
0x7d: {  	_ =	shalt  }
0x7e: {  	_ =	shalt  }
0x7f: {  	_ =	shalt  }
0x80: {  	_ =	shalt  }
0x81: {  	_ =	shalt  }
0x82: {  	_ =	shalt  }
0x83: {  	_ =	shalt  }
0x84: {  	_ =	shalt  }
0x85: {  	_ =	shalt  }
0x86: {  	_ =	shalt  }
0x87: {  	_ =	shalt  }
.Lfunc_end0:
.L_simem_size_0:
called_computation_lowered:
.L_overlay_start_0:
0x88: {  	s2 =	sld [smem:$0x3FD9]  }
0x89: {  	s3 =	sld [smem:$0x3FFE];
	_ =	sdelay $0x1  }
0x8a: {  	s1 =	srdreg.scid  }
0x8b: {  	s0 =	sand.u32 $0x1, s1  }
0x8c: {  	s17 =	sshll.u32 s0, $0xA;
	s2 =	sadd.s32 s3, s2  }
0x8d: {  	s2 =	sadd.s32 s2, s17  }
0x8e: {  	[smem:$0x3FC4] =	sst s2  }
0x8f: {  	_ = 	snop  }
0x90: {  	s2 =	sld [smem:$0x3FC8]  }
0x91: {  	s18 =	sld [smem:$0x3FC7]  }
0x92: {  	s4 =	sld [smem:$0x3FC6];
	(tm) =	ssettm $0x1  }
0x93: {  	s5 =	sld [smem:$0x3FFB];
	_ =	sdelay $0x3  }
0x94: {  	_ =	strace s5  }
0x95: {  	s5 =	sld [smem:$0x3FFC];
	_ =	sdelay $0x3  }
0x96: {  	_ =	strace s5  }
0x97: {  	s5 =	sld [smem:$0x3FFD];
	_ =	sdelay $0x3  }
0x98: {  	_ =	strace s5  }
0x99: {  	_ =	strace $0x8FFFFFFF  }
0x9a: {  	s19 =	sld [smem:$0x3FDB];
	_ =	sdelay $0x1  }
0x9b: {  	s6 =	simm.s32 $_scs_section_size  }
0x9c: {  	s7 =	simm.s32 $_size__tile_overlayer_lowered;
	s8 =	simm.s32 $_tile_overlayer_lowered  }
0x9d: {  	s22 =	simm.s32 $0x1BFF;
	s21 =	sshll.u32 s8, $0x1;
	s5 =	sadd.s32 s6, s19  }
0x9e: {  	s9 =	simm.s32 $0x0;
	s20 =	sshll.u32 s7, $0x1;
	s7 =	sadd.s32 s21, s5  }
0x9f: {  	[timem:s9], [sflag:s22] =	dma.local [hbm:s7], s20  }
0xa0: {  	_ =	swait.ge [sflag:s22], s20  }
0xa1: {  	s6 =	ssub.s32 $0x0, s20;
	[sflag:s22] =	ssyncset.done $0x0  }
0xa2: {  	[sflag:s22] =	ssyncadd.s32 s6;
	_ =	sdelay $0x1  }
0xa3: {  	s23 =	simm.s32 $0x1B8B  }
0xa4: {  	_ =	swait.ge [sflag:s23], $0x1  }
0xa5: {  	[sflag:s23] =	ssyncset.done $0x0  }
0xa6: {  	s25 =	simm.s32 $0x1B8E;
	s24 =	sld [smem:$0x3FFE];
	[sflag:s23] =	ssyncadd.s32 $0xFFFFFFFF  }
0xa7: {  	s26 =	simm.s32 $execute0_lowered;
	[smem:$0x3FD2] =	sst s25  }
0xa8: {  	s7 =	sshll.u32 s26, $0x1;
	_ =	strace $0x80000046;
	[dreg:$0x1] =	wrdreg $0xFFFFFFFF  }
0xa9: {  	s28 =	simm.s32 $_size_execute0_lowered;
	s5 =	sadd.s32 s5, s7;
	[dreg:$0x0] =	wrdreg $0x0  }
0xaa: {  	s7 =	sshll.u32 s28, $0x1;
	[dreg:$0x2] =	wrdreg s5  }
0xab: {  	[dreg:$0x3] =	wrdreg s7  }
0xac: {  	[dreg:$0x4] =	wrdreg $0xC0  }
0xad: {  	_ =	task [dreg:s9], $0x5FFFF  }
0xae: {  	[dreg:$0x1] =	wrdreg $0xFFFFFFFF  }
0xaf: {  	[dreg:$0x0] =	wrdreg $0x60  }
0xb0: {  	[dreg:$0x2] =	wrdreg s2  }
0xb1: {  	[dreg:$0x3] =	wrdreg s18  }
0xb2: {  	[dreg:$0x4] =	wrdreg s4  }
0xb3: {  	[dreg:$0x5] =	wrdreg s24  }
0xb4: {  	[dreg:$0x6] =	wrdreg $0x9  }
0xb5: {  	_ =	task.clear_ibuf [dreg:s9], $0x7FFFF;
	_ =	strace $0x90000046  }
0xb6: {  	s29 =	simm.s32 $0x9;
	_ =	strace $0x80000048  }
0xb7: {  	_ =	swait.ge [sflag:s29], $0x1  }
0xb8: {  	[sflag:s29] =	ssyncadd.s32 $0xFFFFFFFF  }
0xb9: {  	_ =	strace $0x90000048  }
0xba: {  	_ =	sfence  }
0xbb: {  	s30 =	sld [smem:$0x0];
	_ =	sdelay $0x2  }
0xbc: {  	s31 =	sshll.u32 s1, $0xD;
	s1 =	sshrl.u32 s1, $0x2  }
0xbd: {  	s3 =	sand.u32 $0x4000, s31;
	s1 =	sadd.s32 s1, s30  }
0xbe: {  	s0 =	sor.u32 s3, s0;
	s1 =	sshll.u32 s1, $0x11  }
0xbf: {  	s0 =	sor.u32 s1, s0  }
0xc0: {  	s0 =	sadd.s32 $0x8F2B, s0  }
0xc1: {  	[sflag:s0] =	ssyncadd.remote.s32 $0x1  }
0xc2: {  	_ =	sfence.sel $0xFFFF  }
0xc3: {  	[dreg:$0x0] =	wrdreg $0xFFFFFFFF;
	(pc) =	sbr.abs _section_cstart, $3  }
0xc4: {  	[dreg:$0x1] =	wrdreg $0xFFFFFFFF  }
0xc5: {  	_ =	task.clear_ibuf [dreg:s9], $0x2FFFF;
	_ =	strace $0x9FFFFFFF  }
0xc6: {  	(tm) =	ssettm $0x7FFFFFFF  }
0xc7: {  	_ =	shalt  }
tec
execute0_lowered:
.L_overlay_start_1:
0x0: {  	(tag) =	ssettag $0x1  }
0x1: {  	s5 =	rddreg [dreg:$0x0]  }
0x2: {  	s1 =	rddreg [dreg:$0x1]  }
0x3: {  	s2 =	rddreg [dreg:$0x2]  }
0x4: {  	s6 =	rddreg [dreg:$0x3]  }
0x5: {  	s0 =	rddreg [dreg:$0x4];
	s7 =	srdreg.scid  }
0x6: {  	s4 =	simm.s32 $0x0;
	s3 =	stileid.u32;
	s10 =	simm.s32 $0x280  }
0x7: {  	s11 =	simm.s32 $0x300;
	s12 =	simm.s32 $0x380;
	s13 =	simm.s32 $0x0  }
0x8: {  	s7 =	sand.u32 $0x1, s7;
	s8 =	sshll.u32 s3, $0x7;
	[smem:$0x7FF] =	sst s4  }
0x9: {  	s9 =	sshll.u32 s7, $0x6;
	s7 =	ssub.s32 $0x2, s7;
	_ =	strace $0x80000047  }
0xa: {  	s8 =	sor.u32 s9, s8;
	s31 =	sshrl.u32 s7, $0x1;
	s9 =	simm.s32 $0x200  }
0xb: {  	s6 =	sadd.s32 s8, s6;
	s7 =	ssub.s32 s7, s31;
	s5 =	sadd.s32 s5, s8  }
0xc: {  	s8 =	simm.s32 $0x1;
	s6 =	sadd.s32 $0xC00, s6;
	s7 =	smax.u32 s7, $0x1  }
.LBB2_1:
0xd: {  	[tilespmem:s4], [sflag:$0x1] =	stream.linear.gather [hbm4b:s5+s4], $0x200, $0x38;
	[tilespmem:$0x580] =	vst v63  }
0xe: {  	_ =	swait.ge [sflag:s8], $0x200  }
0xf: {  	[sflag:s8] =	ssyncset.done $0x0  }
0x10: {  	[sflag:s8] =	ssyncadd.s32 $0xFFFFFE00  }
0x11: {  	[tilespmem:s9], [sflag:$0x1] =	stream.linear.gather [hbm4b:s1+s4], $0x64, $0x38;
	[tilespmem:$0x580] =	vst v63  }
0x12: {  	_ =	swait.ge [sflag:s8], $0x64  }
0x13: {  	[sflag:s8] =	ssyncset.done $0x0  }
0x14: {  	[sflag:s8] =	ssyncadd.s32 $0xFFFFFF9C  }
0x15: {  	[tilespmem:s10], [sflag:$0x1] =	stream.linear.gather [hbm4b:s2+s4], $0x64, $0x38;
	[tilespmem:$0x580] =	vst v63  }
0x16: {  	_ =	swait.ge [sflag:s8], $0x64  }
0x17: {  	[sflag:s8] =	ssyncset.done $0x0  }
0x18: {  	[sflag:s8] =	ssyncadd.s32 $0xFFFFFF9C  }
0x19: {  	v0 =	vld [tilespmem:$0x280];
	_ =	sdelay $0x4  }
0x1a: {  	v0 =	vsub.f32 $0.0e+00, v0;
	_ =	sdelay $0x1  }
0x1b: {  	v0 =	vmul.f32 $1.442695020e+00, v0;
	_ =	sdelay $0x1  }
0x1c: {  	(erf) = vpow2.f32 v0;
	_ =	sdelay $0x3  }
0x1d: {  	v0 =	vld [tilespmem:$0x290];
	_ =	sdelay $0x4  }
0x1e: {  	v0 =	vsub.f32 $0.0e+00, v0;
	v1 =	vpop (erf)  }
0x1f: {  	v1 =	vadd.f32 $1.000000000e+00, v1  }
0x20: {  	v0 =	vmul.f32 $1.442695020e+00, v0  }
0x21: {  	(erf) = vrcp.f32 v1  }
0x22: {  	(erf) = vpow2.f32 v0;
	_ =	sdelay $0x3  }
0x23: {  	v0 =	vld [tilespmem:$0x2A0];
	_ =	sdelay $0x3  }
0x24: {  	v1 =	vpop (erf)  }
0x25: {  	v0 =	vsub.f32 $0.0e+00, v0;
	v2 =	vpop (erf)  }
0x26: {  	v2 =	vadd.f32 $1.000000000e+00, v2  }
0x27: {  	v0 =	vmul.f32 $1.442695020e+00, v0  }
0x28: {  	(erf) = vrcp.f32 v2  }
0x29: {  	(erf) = vpow2.f32 v0;
	_ =	sdelay $0x3  }
0x2a: {  	v0 =	vld [tilespmem:$0x2B0];
	_ =	sdelay $0x3  }
0x2b: {  	v2 =	vpop (erf)  }
0x2c: {  	v0 =	vsub.f32 $0.0e+00, v0;
	v3 =	vpop (erf)  }
0x2d: {  	v3 =	vadd.f32 $1.000000000e+00, v3  }
0x2e: {  	v0 =	vmul.f32 $1.442695020e+00, v0  }
0x2f: {  	(erf) = vrcp.f32 v3  }
0x30: {  	(erf) = vpow2.f32 v0;
	_ =	sdelay $0x3  }
0x31: {  	v0 =	vld [tilespmem:$0x2C0];
	_ =	sdelay $0x3  }
0x32: {  	v3 =	vpop (erf)  }
0x33: {  	v0 =	vsub.f32 $0.0e+00, v0;
	v4 =	vpop (erf)  }
0x34: {  	v4 =	vadd.f32 $1.000000000e+00, v4  }
0x35: {  	v0 =	vmul.f32 $1.442695020e+00, v0  }
0x36: {  	(erf) = vrcp.f32 v4  }
0x37: {  	(erf) = vpow2.f32 v0;
	_ =	sdelay $0x3  }
0x38: {  	v0 =	vld [tilespmem:$0x2D0];
	_ =	sdelay $0x3  }
0x39: {  	v4 =	vpop (erf)  }
0x3a: {  	v0 =	vsub.f32 $0.0e+00, v0;
	v5 =	vpop (erf)  }
0x3b: {  	v5 =	vadd.f32 $1.000000000e+00, v5  }
0x3c: {  	v0 =	vmul.f32 $1.442695020e+00, v0  }
0x3d: {  	(erf) = vrcp.f32 v5  }
0x3e: {  	(erf) = vpow2.f32 v0;
	_ =	sdelay $0x3  }
0x3f: {  	v0 =	vld [tilespmem:$0x2E0];
	_ =	sdelay $0x3  }
0x40: {  	v5 =	vpop (erf)  }
0x41: {  	v0 =	vsub.f32 $0.0e+00, v0;
	v6 =	vpop (erf)  }
0x42: {  	v6 =	vadd.f32 $1.000000000e+00, v6  }
0x43: {  	v0 =	vmul.f32 $1.442695020e+00, v0  }
0x44: {  	(erf) = vrcp.f32 v6  }
0x45: {  	(erf) = vpow2.f32 v0;
	_ =	sdelay $0x7  }
0x46: {  	v0 =	vpop (erf)  }
0x47: {  	v60 =	vpop (erf)  }
0x48: {  	v8 =	vld [tilespmem:$0x210];
	v6 =	vadd.f32 $1.000000000e+00, v60  }
0x49: {  	v7 =	vld [tilespmem:$0x200]  }
0x4a: {  	v9 =	vld [tilespmem:$0x230];
	(erf) = vrcp.f32 v6  }
0x4b: {  	v61 =	vld [tilespmem:$0x220];
	_ =	sdelay $0x1  }
0x4c: {  	v10 =	vld [tilespmem:$0x240];
	v2 =	vmul.f32 v2, v8  }
0x4d: {  	v62 =	vld [tilespmem:$0x250];
	v1 =	vmul.f32 v1, v7  }
0x4e: {  	v63 =	vld [tilespmem:$0x260];
	[tilespmem:$0x310] =	vst v2;
	v2 =	vmul.f32 v4, v9  }
0x4f: {  	[tilespmem:$0x300] =	vst v1;
	v1 =	vmul.f32 v3, v61;
	_ =	sdelay $0x1  }
0x50: {  	[tilespmem:$0x320] =	vst v1;
	v1 =	vmul.f32 v5, v10  }
0x51: {  	[tilespmem:$0x330] =	vst v2;
	v0 =	vmul.f32 v0, v62;
	v2 =	vpop (erf)  }
0x52: {  	[tilespmem:$0x340] =	vst v1;
	v1 =	vmul.f32 v2, v63  }
0x53: {  	[tilespmem:$0x350] =	vst v0  }
0x54: {  	s14 =	simm.s32 $0x0;
	[tilespmem:$0x360] =	vst v1  }
0x55: {  	v0 =	vld [tilespmem:s14+$0x0];
	_ =	sdelay $0x7  }
0x56: {  	s15 =	simm.s32 $0x10;
	s16 =	simm.s32 $0x80;
	v0 =	vld.idx.msk [tilespmem:v0+s11+$0x0], $0xffff  }
.LBB2_2:
0x57: {  	p0 =	sne.s32 s16, $0x7C0;
	v1 =	vld [tilespmem:s15+$0x0];
	_ =	sdelay $0x3  }
.Ltmp0:
0x58: {  	(pc) =	sbr.rel @p0 .LBB2_2-.Ltmp0, $2  }
0x59: {  	[tilespmem:s14+$0x380] =	vst v0;
	s14 =	smov.u32 s15;
	_ =	sdelay $0x2  }
0x5a: {  	s15 =	sshra.s32 s16, $0x2;
	s16 =	sadd.s32 $0x40, s16;
	v0 =	vld.idx.msk [tilespmem:v1+s11+$0x0], $0xffff  }
0x5b: {  	v1 =	vld [tilespmem:s15+$0x0];
	_ =	sdelay $0x6  }
0x5c: {  	[tilespmem:s14+$0x380] =	vst v0  }
0x5d: {  	v0 =	vld.idx.msk [tilespmem:v1+s11+$0x0], $0xffff;
	_ =	sdelay $0x2  }
0x5e: {  	s13 =	sadd.s32 $0x1, s13  }
0x5f: {  	p0 =	sne.s32 s13, s7  }
.Ltmp1:
0x60: {  	[tilespmem:s15+$0x380] =	vst v0;
	(pc) =	sbr.rel @p0 .LBB2_1-.Ltmp1, $4  }
0x61: {  	[hbm4b:s6+s4] =	stream.linear.scatter [tilespmem:s12], [sflag:$0x1], $0x200, $0x38;
	[tilespmem:$0x580] =	vst v63  }
0x62: {  	_ =	swait.ge [sflag:s8], $0x200  }
0x63: {  	[sflag:s8] =	ssyncset.done $0x0  }
0x64: {  	[sflag:s8] =	ssyncadd.s32 $0xFFFFFE00  }
0x65: {  	_ =	sfence.sel $0x180000  }
0x66: {  	[bflag:$0x0] =	sbarrier.arrive $0xFFFF  }
0x67: {  	p0 =	sne.s32 s3, $0x0;
	_ =	strace $0x90000047  }
0x68: {  	s0 =	sadd.s32 @!p0 $0x100000, s0;
	[bflag:$0x2] =	sbarrier.arrive $0xFFFF  }
0x69: {  	[sflag:s0] =	ssyncadd.tile.s32 @!p0 $0x1;
	_ =	shalt  }
.Lfunc_end2:
_tile_overlayer_lowered:
.L_overlay_start_2:
0x6a: {  	(tag) =	ssettag $0x2  }
0x6b: {  	s0 =	rddreg [dreg:$0x0];
	s2 =	stileid.u32  }
0x6c: {  	s1 =	rddreg [dreg:$0x1];
	p0 =	sne.s32 s2, $0x0  }
0x6d: {  	s3 =	rddreg [dreg:$0x2];
	[bflag:$0x3] =	sbarrier.arrive $0xFFFF;
	s2 =	simm.s32 @!p0 $0x1C01  }
0x6e: {  	[timem:s3], [sflag:s2] =	dma.local @!p0 [hbm:s0], s1  }
0x6f: {  	s0 =	simm.s32 @!p0 $0x1  }
0x70: {  	_ =	swait.ge @!p0 [sflag:s0], s1  }
0x71: {  	s1 =	ssub.s32 @!p0 $0x0, s1;
	[sflag:s0] =	ssyncset.done @!p0 $0x0  }
0x72: {  	[sflag:s0] =	ssyncadd.s32 @!p0 s1  }
0x73: {  	[bflag:$0x3] =	sbarrier.arrive $0xFFFF  }
0x74: {  	_ =	shalt  }

</sc_bundles>
